<compile_context>
chip_gen: v7x
topology: tpu7x:2x2x1
jax: 0.10.2.dev20260603
libtpu: 0.0.44.dev20260713+nightly
codegen_flags: <defaults>
</compile_context>

<pallas_src>
import functools

import jax
import jax.numpy as jnp
from jax import lax
from jax.experimental import pallas as pl
from jax.experimental.pallas import tpu as pltpu
from jax.experimental.pallas import tpu_sc as plsc

N = 10000
D = 256
E = 160000
L = 128
BN_EPS = 1e-5

NUM_CORES = 2
NUM_TILES = 16
CHUNK = 128
N_PAD = 10240
ROWS_PT = N_PAD // NUM_TILES
E_PAD = 163840
CHUNKS_TOTAL = E_PAD // CHUNK
CPT = CHUNKS_TOTAL // NUM_TILES


def _sc_agg_body(x2_hbm, xs_hbm, srcs_hbm, dsts_hbm, out_hbm,
                 src_v, dst_v, gbuf, sem, agg_sh):
    c = lax.axis_index("c")
    s = lax.axis_index("s")
    r0 = s * ROWS_PT
    pltpu.sync_copy(xs_hbm.at[c, pl.ds(r0, ROWS_PT)],
                    agg_sh.at[pl.ds(r0, ROWS_PT)])
    base = s * CPT
    pltpu.sync_copy(srcs_hbm.at[c, pl.ds(base, CPT)], src_v)
    pltpu.sync_copy(dsts_hbm.at[pl.ds(base, CPT)], dst_v)
    plsc.subcore_barrier()

    def step(j, carry):
        pltpu.async_copy(x2_hbm.at[src_v.at[j]], gbuf, sem).wait()
        pltpu.sync_copy(gbuf, agg_sh.at[dst_v.at[j]], add=True)
        return carry

    lax.fori_loop(0, CPT, step, 0)
    plsc.subcore_barrier()
    full = 632
    rem = N - (NUM_TILES - 1) * full

    @pl.when(s < NUM_TILES - 1)
    def _copy_full():
        pltpu.sync_copy(agg_sh.at[pl.ds(s * full, full)],
                        out_hbm.at[c, pl.ds(s * full, full)])

    @pl.when(s == NUM_TILES - 1)
    def _copy_rem():
        pltpu.sync_copy(agg_sh.at[pl.ds((NUM_TILES - 1) * full, rem)],
                        out_hbm.at[c, pl.ds((NUM_TILES - 1) * full, rem)])


@functools.cache
def _sc_agg():
    return pl.kernel(
        _sc_agg_body,
        out_type=jax.ShapeDtypeStruct((NUM_CORES, N, L), jnp.float32),
        mesh=plsc.VectorSubcoreMesh(core_axis_name="c", subcore_axis_name="s",
                                    num_cores=NUM_CORES,
                                    num_subcores=NUM_TILES),
        scratch_types=[
            pltpu.VMEM((CPT, CHUNK), jnp.int32),
            pltpu.VMEM((CPT, CHUNK), jnp.int32),
            pltpu.VMEM((CHUNK, L), jnp.float32),
            pltpu.SemaphoreType.DMA,
            pltpu.VMEM_SHARED((N_PAD, L), jnp.float32),
        ],
    )


def _tc_mlp_body(aggs_ref, w1_ref, b1_ref, g1_ref, bt1_ref,
                 w2_ref, b2_ref, g2_ref, bt2_ref, out_ref):
    w1 = w1_ref[...]
    h = (lax.dot_general(aggs_ref[0], w1[:, :L], (((1,), (1,)), ((), ())))
         + lax.dot_general(aggs_ref[1], w1[:, L:], (((1,), (1,)), ((), ()))))
    h = h + b1_ref[...]
    mean = jnp.mean(h, axis=0, keepdims=True)
    d = h - mean
    var = jnp.mean(d * d, axis=0, keepdims=True)
    h = d * lax.rsqrt(var + BN_EPS) * g1_ref[...] + bt1_ref[...]
    h = lax.dot_general(h, w2_ref[...], (((1,), (1,)), ((), ())))
    h = h + b2_ref[...]
    mean = jnp.mean(h, axis=0, keepdims=True)
    d = h - mean
    var = jnp.mean(d * d, axis=0, keepdims=True)
    out_ref[...] = d * lax.rsqrt(var + BN_EPS) * g2_ref[...] + bt2_ref[...]


_tc_mlp = pl.pallas_call(
    _tc_mlp_body,
    out_shape=jax.ShapeDtypeStruct((N, D), jnp.float32),
)


def kernel(x, edge_index, edge_weight, W1, b1, g1, beta1, W2, b2, g2, beta2):
    del edge_weight
    src = edge_index[0]
    dst = edge_index[1]
    pad_e = E_PAD - E
    pad_src = jnp.arange(pad_e, dtype=jnp.int32) * 17 % N
    src_p = jnp.concatenate([src, pad_src])
    junk = (N + (jnp.arange(pad_e, dtype=jnp.int32) % (N_PAD - N)))
    dst_p = jnp.concatenate([dst, junk])
    src2 = 2 * src_p
    srcs = jnp.stack([src2, src2 + 1]).reshape(2, CHUNKS_TOTAL, CHUNK)
    dsts = dst_p.reshape(CHUNKS_TOTAL, CHUNK)
    x2 = x.reshape(2 * N, L)
    xs = jnp.pad(x.reshape(N, 2, L).transpose(1, 0, 2),
                 ((0, 0), (0, N_PAD - N), (0, 0)))

    aggs = _sc_agg()(x2, xs, srcs, dsts)

    return _tc_mlp(aggs, W1, b1[None], g1[None], beta1[None],
                   W2, b2[None], g2[None], beta2[None])

# --- scband reference (transcript-rebuilt; emitter-appended) ---
"""Pipeline reference for scband-ginwrapper-59863254171696 (READ-ONLY COPY).

The authoritative reference and input builder live on the scoring server;
editing this copy changes nothing except your own understanding.
"""

import jax, jax.numpy as jnp
import numpy as np

N = 10000
E = 160000
D = 256
BN_EPS = 1e-5
GIN_EPS = 0.0


def setup_inputs(seed: int = 0) -> dict:
    key = jax.random.key(seed)
    ks = jax.random.split(key, 12)
    x = jax.random.normal(ks[0], (N, D), dtype=jnp.float32)
    edge_index = jax.random.randint(ks[1], (2, E), 0, N, dtype=jnp.int32)
    edge_weight = jax.random.uniform(ks[2], (E,), dtype=jnp.float32)
    s1 = 1.0 / np.sqrt(D)
    W1 = jax.random.uniform(ks[3], (D, D), dtype=jnp.float32, minval=-s1, maxval=s1)
    b1 = jax.random.uniform(ks[4], (D,), dtype=jnp.float32, minval=-s1, maxval=s1)
    g1 = jnp.ones((D,), dtype=jnp.float32)
    beta1 = jnp.zeros((D,), dtype=jnp.float32)
    W2 = jax.random.uniform(ks[5], (D, D), dtype=jnp.float32, minval=-s1, maxval=s1)
    b2 = jax.random.uniform(ks[6], (D,), dtype=jnp.float32, minval=-s1, maxval=s1)
    g2 = jnp.ones((D,), dtype=jnp.float32)
    beta2 = jnp.zeros((D,), dtype=jnp.float32)
    return {"x": x, "edge_index": edge_index, "edge_weight": edge_weight,
            "W1": W1, "b1": b1, "g1": g1, "beta1": beta1,
            "W2": W2, "b2": b2, "g2": g2, "beta2": beta2}


def _batchnorm(h, gamma, beta):
    # BatchNorm1d in training mode: biased batch statistics
    mean = jnp.mean(h, axis=0)
    var = jnp.mean((h - mean) ** 2, axis=0)
    return (h - mean) / jnp.sqrt(var + BN_EPS) * gamma + beta


def reference(x, edge_index, edge_weight, W1, b1, g1, beta1, W2, b2, g2, beta2):
    # GINConv: out = sum_{j in N(i)} x_j + (1 + eps) * x_i
    # Note: message() only uses x_j, so edge_weight is unused (faithful to source).
    src = edge_index[0]
    dst = edge_index[1]
    msgs = jnp.take(x, src, axis=0)
    agg = jax.ops.segment_sum(msgs, dst, num_segments=x.shape[0])
    out = agg + (1.0 + GIN_EPS) * x
    # MLP: Linear -> BatchNorm1d -> Linear -> BatchNorm1d
    h = out @ W1.T + b1
    h = _batchnorm(h, g1, beta1)
    h = h @ W2.T + b2
    h = _batchnorm(h, g2, beta2)
    return h

if __name__ == "__main__":
    import jax
    _d = setup_inputs()
    print(jax.jit(kernel)(*tuple(_d.values())))

</pallas_src>

<mosaic_0001>
#map = affine_map<(d0, d1) -> (0, 0)>
#map1 = affine_map<(d0, d1) -> (0, 0, 0)>
module attributes {stable_mosaic.version = 14 : i64} {
  func.func @_sc_agg_body(%arg0: i32, %arg1: i32, %arg2: memref<20000x128xf32, #tpu.memory_space<hbm>>, %arg3: memref<2x10240x128xf32, #tpu.memory_space<hbm>>, %arg4: memref<2x1280x128xi32, #tpu.memory_space<hbm>>, %arg5: memref<1280x128xi32, #tpu.memory_space<hbm>>, %arg6: memref<2x10000x128xf32, #tpu.memory_space<hbm>>, %arg7: memref<80x128xi32, #tpu.memory_space<vmem>>, %arg8: memref<80x128xi32, #tpu.memory_space<vmem>>, %arg9: memref<128x128xf32, #tpu.memory_space<vmem>>, %arg10: memref<!tpu.dma_semaphore, #tpu.memory_space<semaphore_mem>>, %arg11: memref<10240x128xf32, #tpu.memory_space<vmem_shared>>) attributes {dimension_semantics = [#tpu.dimension_semantics<core_parallel>, #tpu.dimension_semantics<subcore_parallel>], iteration_bounds = array<i64: 2, 16>, scalar_prefetch = 0 : i64, scratch_operands = 5 : i64, tpu.core_type = #tpu.core_type<sc_vector_subcore>, window_params = [{transform_indices = #map}, {transform_indices = #map1}, {transform_indices = #map1}, {transform_indices = #map}, {transform_indices = #map1}]} {
    %mul3A = arith.constant 640 : i32
    %mul3A_0 = arith.muli %arg1, %mul3A : i32
    "tpu.region"() ({
      %run_scoped3A = tpu.sem_alloc : memref<!tpu.dma_semaphore, #tpu.memory_space<semaphore_mem>>
      %dma_start3A = arith.constant 0 : i32
      %dma_start3A_15 = tpu.memref_slice %arg11[%mul3A_0, %dma_start3A] : memref<10240x128xf32, #tpu.memory_space<vmem_shared>> -> memref<640x128xf32, #tpu.memory_space<vmem_shared>>
      %dma_start3A_16 = arith.constant 0 : i32
      %dma_start3A_17 = tpu.memref_slice %arg3[%arg0, %mul3A_0, %dma_start3A_16] : memref<2x10240x128xf32, #tpu.memory_space<hbm>> -> memref<1x640x128xf32, #tpu.memory_space<hbm>>
      %dma_start3A_18 = tpu.memref_squeeze %dma_start3A_17 : memref<1x640x128xf32, #tpu.memory_space<hbm>> -> memref<640x128xf32, #tpu.memory_space<hbm>>
      tpu.enqueue_dma source(%dma_start3A_18 : memref<640x128xf32, #tpu.memory_space<hbm>>) target(%dma_start3A_15 : memref<640x128xf32, #tpu.memory_space<vmem_shared>>) target_semaphore(%run_scoped3A : memref<!tpu.dma_semaphore, #tpu.memory_space<semaphore_mem>>)
      %dma_wait3A = arith.constant 0 : i32
      %dma_wait3A_19 = tpu.memref_slice %arg11[%mul3A_0, %dma_wait3A] : memref<10240x128xf32, #tpu.memory_space<vmem_shared>> -> memref<640x128xf32, #tpu.memory_space<vmem_shared>>
      %dma_wait3A_20 = arith.constant 0 : i32
      %dma_wait3A_21 = tpu.memref_slice %arg3[%arg0, %mul3A_0, %dma_wait3A_20] : memref<2x10240x128xf32, #tpu.memory_space<hbm>> -> memref<1x640x128xf32, #tpu.memory_space<hbm>>
      %dma_wait3A_22 = tpu.memref_squeeze %dma_wait3A_21 : memref<1x640x128xf32, #tpu.memory_space<hbm>> -> memref<640x128xf32, #tpu.memory_space<hbm>>
      tpu.wait_dma2 semaphore(%run_scoped3A : memref<!tpu.dma_semaphore, #tpu.memory_space<semaphore_mem>>) src(%dma_wait3A_22 : memref<640x128xf32, #tpu.memory_space<hbm>>) dst(%dma_wait3A_19 : memref<640x128xf32, #tpu.memory_space<vmem_shared>>)
      tpu.yield
    }) : () -> ()
    %mul3A_1 = arith.constant 80 : i32
    %mul3A_2 = arith.muli %arg1, %mul3A_1 : i32
    "tpu.region"() ({
      %run_scoped3A = tpu.sem_alloc : memref<!tpu.dma_semaphore, #tpu.memory_space<semaphore_mem>>
      %dma_start3A = arith.constant 0 : i32
      %dma_start3A_15 = tpu.memref_slice %arg4[%arg0, %mul3A_2, %dma_start3A] : memref<2x1280x128xi32, #tpu.memory_space<hbm>> -> memref<1x80x128xi32, #tpu.memory_space<hbm>>
      %dma_start3A_16 = tpu.memref_squeeze %dma_start3A_15 : memref<1x80x128xi32, #tpu.memory_space<hbm>> -> memref<80x128xi32, #tpu.memory_space<hbm>>
      %dma_start3A_17 = arith.constant 0 : i32
      %dma_start3A_18 = tpu.memref_slice %arg4[%arg0, %mul3A_2, %dma_start3A_17] : memref<2x1280x128xi32, #tpu.memory_space<hbm>> -> memref<1x80x128xi32, #tpu.memory_space<hbm>>
      %dma_start3A_19 = tpu.memref_squeeze %dma_start3A_18 : memref<1x80x128xi32, #tpu.memory_space<hbm>> -> memref<80x128xi32, #tpu.memory_space<hbm>>
      tpu.enqueue_dma source(%dma_start3A_19 : memref<80x128xi32, #tpu.memory_space<hbm>>) target(%arg7 : memref<80x128xi32, #tpu.memory_space<vmem>>) target_semaphore(%run_scoped3A : memref<!tpu.dma_semaphore, #tpu.memory_space<semaphore_mem>>)
      %dma_wait3A = arith.constant 0 : i32
      %dma_wait3A_20 = tpu.memref_slice %arg4[%arg0, %mul3A_2, %dma_wait3A] : memref<2x1280x128xi32, #tpu.memory_space<hbm>> -> memref<1x80x128xi32, #tpu.memory_space<hbm>>
      %dma_wait3A_21 = tpu.memref_squeeze %dma_wait3A_20 : memref<1x80x128xi32, #tpu.memory_space<hbm>> -> memref<80x128xi32, #tpu.memory_space<hbm>>
      %dma_wait3A_22 = arith.constant 0 : i32
      %dma_wait3A_23 = tpu.memref_slice %arg4[%arg0, %mul3A_2, %dma_wait3A_22] : memref<2x1280x128xi32, #tpu.memory_space<hbm>> -> memref<1x80x128xi32, #tpu.memory_space<hbm>>
      %dma_wait3A_24 = tpu.memref_squeeze %dma_wait3A_23 : memref<1x80x128xi32, #tpu.memory_space<hbm>> -> memref<80x128xi32, #tpu.memory_space<hbm>>
      tpu.wait_dma2 semaphore(%run_scoped3A : memref<!tpu.dma_semaphore, #tpu.memory_space<semaphore_mem>>) src(%dma_wait3A_24 : memref<80x128xi32, #tpu.memory_space<hbm>>) dst(%arg7 : memref<80x128xi32, #tpu.memory_space<vmem>>)
      tpu.yield
    }) : () -> ()
    "tpu.region"() ({
      %run_scoped3A = tpu.sem_alloc : memref<!tpu.dma_semaphore, #tpu.memory_space<semaphore_mem>>
      %dma_start3A = arith.constant 0 : i32
      %dma_start3A_15 = tpu.memref_slice %arg5[%mul3A_2, %dma_start3A] : memref<1280x128xi32, #tpu.memory_space<hbm>> -> memref<80x128xi32, #tpu.memory_space<hbm>>
      %dma_start3A_16 = arith.constant 0 : i32
      %dma_start3A_17 = tpu.memref_slice %arg5[%mul3A_2, %dma_start3A_16] : memref<1280x128xi32, #tpu.memory_space<hbm>> -> memref<80x128xi32, #tpu.memory_space<hbm>>
      tpu.enqueue_dma source(%dma_start3A_17 : memref<80x128xi32, #tpu.memory_space<hbm>>) target(%arg8 : memref<80x128xi32, #tpu.memory_space<vmem>>) target_semaphore(%run_scoped3A : memref<!tpu.dma_semaphore, #tpu.memory_space<semaphore_mem>>)
      %dma_wait3A = arith.constant 0 : i32
      %dma_wait3A_18 = tpu.memref_slice %arg5[%mul3A_2, %dma_wait3A] : memref<1280x128xi32, #tpu.memory_space<hbm>> -> memref<80x128xi32, #tpu.memory_space<hbm>>
      %dma_wait3A_19 = arith.constant 0 : i32
      %dma_wait3A_20 = tpu.memref_slice %arg5[%mul3A_2, %dma_wait3A_19] : memref<1280x128xi32, #tpu.memory_space<hbm>> -> memref<80x128xi32, #tpu.memory_space<hbm>>
      tpu.wait_dma2 semaphore(%run_scoped3A : memref<!tpu.dma_semaphore, #tpu.memory_space<semaphore_mem>>) src(%dma_wait3A_20 : memref<80x128xi32, #tpu.memory_space<hbm>>) dst(%arg8 : memref<80x128xi32, #tpu.memory_space<vmem>>)
      tpu.yield
    }) : () -> ()
    %barrier3A = arith.constant 0 : index
    tpu.barrier barrier_id(%barrier3A)
    %scan3A = arith.constant 0 : i32
    %scan3A_3 = arith.constant 0 : i32
    %scan3A_4 = arith.constant 80 : i32
    %scan3A_5 = arith.addi %scan3A_3, %scan3A_4 : i32
    %scan3A_6 = arith.constant 1 : i32
    scf.for %scan3A_15 = %scan3A_3 to %scan3A_5 step %scan3A_6  : i32 {
      %dma_start3A = arith.constant 0 : i32
      %dma_start3A_16 = tpu.memref_slice %arg7[%scan3A_15, %dma_start3A] : memref<80x128xi32, #tpu.memory_space<vmem>> -> memref<1x128xi32, #tpu.memory_space<vmem>>
      %dma_start3A_17 = tpu.memref_squeeze %dma_start3A_16 : memref<1x128xi32, #tpu.memory_space<vmem>> -> memref<128xi32, #tpu.memory_space<vmem>>
      %dma_start3A_18 = arith.constant 0 : i32
      %dma_start3A_19 = arith.constant 0 : i32
      %dma_start3A_20 = tpu.memref_slice %arg2[%dma_start3A_18, %dma_start3A_19] : memref<20000x128xf32, #tpu.memory_space<hbm>> -> memref<20000x128xf32, #tpu.memory_space<hbm>>
      tpu.enqueue_indirect_dma source(%dma_start3A_20 : memref<20000x128xf32, #tpu.memory_space<hbm>>) target(%arg9 : memref<128x128xf32, #tpu.memory_space<vmem>>) offsets(%dma_start3A_17 : memref<128xi32, #tpu.memory_space<vmem>>) semaphore(%arg10 : memref<!tpu.dma_semaphore, #tpu.memory_space<semaphore_mem>>)
      %dma_wait3A = arith.constant 0 : i32
      %dma_wait3A_21 = tpu.memref_slice %arg7[%scan3A_15, %dma_wait3A] : memref<80x128xi32, #tpu.memory_space<vmem>> -> memref<1x128xi32, #tpu.memory_space<vmem>>
      %dma_wait3A_22 = tpu.memref_squeeze %dma_wait3A_21 : memref<1x128xi32, #tpu.memory_space<vmem>> -> memref<128xi32, #tpu.memory_space<vmem>>
      %dma_wait3A_23 = arith.constant 0 : i32
      %dma_wait3A_24 = arith.constant 0 : i32
      %dma_wait3A_25 = tpu.memref_slice %arg2[%dma_wait3A_23, %dma_wait3A_24] : memref<20000x128xf32, #tpu.memory_space<hbm>> -> memref<20000x128xf32, #tpu.memory_space<hbm>>
      tpu.wait_indirect_dma semaphore(%arg10 : memref<!tpu.dma_semaphore, #tpu.memory_space<semaphore_mem>>) src(%dma_wait3A_25 : memref<20000x128xf32, #tpu.memory_space<hbm>>) dst(%arg9 : memref<128x128xf32, #tpu.memory_space<vmem>>)
      "tpu.region"() ({
        %run_scoped3A = tpu.sem_alloc : memref<!tpu.dma_semaphore, #tpu.memory_space<semaphore_mem>>
        %dma_start3A_26 = arith.constant 0 : i32
        %dma_start3A_27 = tpu.memref_slice %arg8[%scan3A_15, %dma_start3A_26] : memref<80x128xi32, #tpu.memory_space<vmem>> -> memref<1x128xi32, #tpu.memory_space<vmem>>
        %dma_start3A_28 = tpu.memref_squeeze %dma_start3A_27 : memref<1x128xi32, #tpu.memory_space<vmem>> -> memref<128xi32, #tpu.memory_space<vmem>>
        %dma_start3A_29 = arith.constant 0 : i32
        %dma_start3A_30 = arith.constant 0 : i32
        %dma_start3A_31 = tpu.memref_slice %arg11[%dma_start3A_29, %dma_start3A_30] : memref<10240x128xf32, #tpu.memory_space<vmem_shared>> -> memref<10240x128xf32, #tpu.memory_space<vmem_shared>>
        tpu.enqueue_indirect_dma source(%arg9 : memref<128x128xf32, #tpu.memory_space<vmem>>) target(%dma_start3A_31 : memref<10240x128xf32, #tpu.memory_space<vmem_shared>>) offsets(%dma_start3A_28 : memref<128xi32, #tpu.memory_space<vmem>>) semaphore(%run_scoped3A : memref<!tpu.dma_semaphore, #tpu.memory_space<semaphore_mem>>) {add = true}
        %dma_wait3A_32 = arith.constant 0 : i32
        %dma_wait3A_33 = tpu.memref_slice %arg8[%scan3A_15, %dma_wait3A_32] : memref<80x128xi32, #tpu.memory_space<vmem>> -> memref<1x128xi32, #tpu.memory_space<vmem>>
        %dma_wait3A_34 = tpu.memref_squeeze %dma_wait3A_33 : memref<1x128xi32, #tpu.memory_space<vmem>> -> memref<128xi32, #tpu.memory_space<vmem>>
        %dma_wait3A_35 = arith.constant 0 : i32
        %dma_wait3A_36 = arith.constant 0 : i32
        %dma_wait3A_37 = tpu.memref_slice %arg11[%dma_wait3A_35, %dma_wait3A_36] : memref<10240x128xf32, #tpu.memory_space<vmem_shared>> -> memref<10240x128xf32, #tpu.memory_space<vmem_shared>>
        tpu.wait_indirect_dma semaphore(%run_scoped3A : memref<!tpu.dma_semaphore, #tpu.memory_space<semaphore_mem>>) src(%arg9 : memref<128x128xf32, #tpu.memory_space<vmem>>) dst(%dma_wait3A_37 : memref<10240x128xf32, #tpu.memory_space<vmem_shared>>)
        tpu.yield
      }) : () -> ()
    }
    %scan3A_7 = arith.constant 80 : i32
    %barrier3A_8 = arith.constant 0 : index
    tpu.barrier barrier_id(%barrier3A_8)
    %lt3A = arith.constant 15 : i32
    %lt3A_9 = arith.cmpi slt, %arg1, %lt3A : i32
    %convert_element_type3A = arith.extui %lt3A_9 : i1 to i32
    %cond3A = arith.constant 0 : i32
    %cond3A_10 = arith.cmpi ne, %convert_element_type3A, %cond3A : i32
    scf.if %cond3A_10 {
      %mul3A_15 = arith.constant 632 : i32
      %mul3A_16 = arith.muli %arg1, %mul3A_15 : i32
      %mul3A_17 = arith.constant 632 : i32
      %mul3A_18 = arith.muli %arg1, %mul3A_17 : i32
      "tpu.region"() ({
        %run_scoped3A = tpu.sem_alloc : memref<!tpu.dma_semaphore, #tpu.memory_space<semaphore_mem>>
        %dma_start3A = arith.constant 0 : i32
        %dma_start3A_19 = tpu.memref_slice %arg6[%arg0, %mul3A_18, %dma_start3A] : memref<2x10000x128xf32, #tpu.memory_space<hbm>> -> memref<1x632x128xf32, #tpu.memory_space<hbm>>
        %dma_start3A_20 = tpu.memref_squeeze %dma_start3A_19 : memref<1x632x128xf32, #tpu.memory_space<hbm>> -> memref<632x128xf32, #tpu.memory_space<hbm>>
        %dma_start3A_21 = arith.constant 0 : i32
        %dma_start3A_22 = tpu.memref_slice %arg11[%mul3A_16, %dma_start3A_21] : memref<10240x128xf32, #tpu.memory_space<vmem_shared>> -> memref<632x128xf32, #tpu.memory_space<vmem_shared>>
        tpu.enqueue_dma source(%dma_start3A_22 : memref<632x128xf32, #tpu.memory_space<vmem_shared>>) target(%dma_start3A_20 : memref<632x128xf32, #tpu.memory_space<hbm>>) target_semaphore(%run_scoped3A : memref<!tpu.dma_semaphore, #tpu.memory_space<semaphore_mem>>)
        %dma_wait3A = arith.constant 0 : i32
        %dma_wait3A_23 = tpu.memref_slice %arg6[%arg0, %mul3A_18, %dma_wait3A] : memref<2x10000x128xf32, #tpu.memory_space<hbm>> -> memref<1x632x128xf32, #tpu.memory_space<hbm>>
        %dma_wait3A_24 = tpu.memref_squeeze %dma_wait3A_23 : memref<1x632x128xf32, #tpu.memory_space<hbm>> -> memref<632x128xf32, #tpu.memory_space<hbm>>
        %dma_wait3A_25 = arith.constant 0 : i32
        %dma_wait3A_26 = tpu.memref_slice %arg11[%mul3A_16, %dma_wait3A_25] : memref<10240x128xf32, #tpu.memory_space<vmem_shared>> -> memref<632x128xf32, #tpu.memory_space<vmem_shared>>
        tpu.wait_dma2 semaphore(%run_scoped3A : memref<!tpu.dma_semaphore, #tpu.memory_space<semaphore_mem>>) src(%dma_wait3A_26 : memref<632x128xf32, #tpu.memory_space<vmem_shared>>) dst(%dma_wait3A_24 : memref<632x128xf32, #tpu.memory_space<hbm>>)
        tpu.yield
      }) : () -> ()
    } else {
    }
    %eq3A = arith.constant 15 : i32
    %eq3A_11 = arith.cmpi eq, %arg1, %eq3A : i32
    %convert_element_type3A_12 = arith.extui %eq3A_11 : i1 to i32
    %cond3A_13 = arith.constant 0 : i32
    %cond3A_14 = arith.cmpi ne, %convert_element_type3A_12, %cond3A_13 : i32
    scf.if %cond3A_14 {
      "tpu.region"() ({
        %run_scoped3A = tpu.sem_alloc : memref<!tpu.dma_semaphore, #tpu.memory_space<semaphore_mem>>
        %dma_start3A = arith.constant 9480 : i32
        %dma_start3A_15 = arith.constant 0 : i32
        %dma_start3A_16 = tpu.memref_slice %arg6[%arg0, %dma_start3A, %dma_start3A_15] : memref<2x10000x128xf32, #tpu.memory_space<hbm>> -> memref<1x520x128xf32, #tpu.memory_space<hbm>>
        %dma_start3A_17 = tpu.memref_squeeze %dma_start3A_16 : memref<1x520x128xf32, #tpu.memory_space<hbm>> -> memref<520x128xf32, #tpu.memory_space<hbm>>
        %dma_start3A_18 = arith.constant 9480 : i32
        %dma_start3A_19 = arith.constant 0 : i32
        %dma_start3A_20 = tpu.memref_slice %arg11[%dma_start3A_18, %dma_start3A_19] : memref<10240x128xf32, #tpu.memory_space<vmem_shared>> -> memref<520x128xf32, #tpu.memory_space<vmem_shared>>
        tpu.enqueue_dma source(%dma_start3A_20 : memref<520x128xf32, #tpu.memory_space<vmem_shared>>) target(%dma_start3A_17 : memref<520x128xf32, #tpu.memory_space<hbm>>) target_semaphore(%run_scoped3A : memref<!tpu.dma_semaphore, #tpu.memory_space<semaphore_mem>>)
        %dma_wait3A = arith.constant 9480 : i32
        %dma_wait3A_21 = arith.constant 0 : i32
        %dma_wait3A_22 = tpu.memref_slice %arg6[%arg0, %dma_wait3A, %dma_wait3A_21] : memref<2x10000x128xf32, #tpu.memory_space<hbm>> -> memref<1x520x128xf32, #tpu.memory_space<hbm>>
        %dma_wait3A_23 = tpu.memref_squeeze %dma_wait3A_22 : memref<1x520x128xf32, #tpu.memory_space<hbm>> -> memref<520x128xf32, #tpu.memory_space<hbm>>
        %dma_wait3A_24 = arith.constant 9480 : i32
        %dma_wait3A_25 = arith.constant 0 : i32
        %dma_wait3A_26 = tpu.memref_slice %arg11[%dma_wait3A_24, %dma_wait3A_25] : memref<10240x128xf32, #tpu.memory_space<vmem_shared>> -> memref<520x128xf32, #tpu.memory_space<vmem_shared>>
        tpu.wait_dma2 semaphore(%run_scoped3A : memref<!tpu.dma_semaphore, #tpu.memory_space<semaphore_mem>>) src(%dma_wait3A_26 : memref<520x128xf32, #tpu.memory_space<vmem_shared>>) dst(%dma_wait3A_23 : memref<520x128xf32, #tpu.memory_space<hbm>>)
        tpu.yield
      }) : () -> ()
    } else {
    }
    return
  }
}

module attributes {stable_mosaic.version = 14 : i64} {
  func.func @_tc_mlp_body(%arg0: memref<2x10000x128xf32, #tpu.memory_space<vmem>>, %arg1: memref<256x256xf32, #tpu.memory_space<vmem>>, %arg2: memref<1x256xf32, #tpu.memory_space<vmem>>, %arg3: memref<1x256xf32, #tpu.memory_space<vmem>>, %arg4: memref<1x256xf32, #tpu.memory_space<vmem>>, %arg5: memref<256x256xf32, #tpu.memory_space<vmem>>, %arg6: memref<1x256xf32, #tpu.memory_space<vmem>>, %arg7: memref<1x256xf32, #tpu.memory_space<vmem>>, %arg8: memref<1x256xf32, #tpu.memory_space<vmem>>, %arg9: memref<10000x256xf32, #tpu.memory_space<vmem>>) attributes {dimension_semantics = [], scalar_prefetch = 0 : i64, scratch_operands = 0 : i64, tpu.core_type = #tpu.core_type<tc>} {
    %get3A = arith.constant 0 : index
    %get3A_0 = arith.constant 0 : index
    %get3A_1 = vector.load %arg1[%get3A, %get3A_0] : memref<256x256xf32, #tpu.memory_space<vmem>>, vector<256x256xf32>
    %get3A_2 = arith.constant 0 : index
    %get3A_3 = arith.constant 0 : index
    %get3A_4 = arith.constant 0 : index
    %get3A_5 = vector.load %arg0[%get3A_2, %get3A_3, %get3A_4] : memref<2x10000x128xf32, #tpu.memory_space<vmem>>, vector<1x10000x128xf32>
    %get3A_6 = vector.shape_cast %get3A_5 : vector<1x10000x128xf32> to vector<10000x128xf32>
    %slice3A = vector.extract_strided_slice %get3A_1 {offsets = [0, 0], sizes = [256, 128], strides = [1, 1]} : vector<256x256xf32> to vector<256x128xf32>
    %dot_general3A = arith.constant dense<0.000000e+00> : vector<10000x256xf32>
    %dot_general3A_7 = tpu.matmul %get3A_6, %slice3A, %dot_general3A {dimension_numbers = #tpu.dot_dimension_numbers<[1], [1], [0], [0], [0, 0, 1, 0], [], []>, transpose_lhs_hint = false} : vector<10000x128xf32>, vector<256x128xf32>, vector<10000x256xf32> -> vector<10000x256xf32>
    %get3A_8 = arith.constant 1 : index
    %get3A_9 = arith.constant 0 : index
    %get3A_10 = arith.constant 0 : index
    %get3A_11 = vector.load %arg0[%get3A_8, %get3A_9, %get3A_10] : memref<2x10000x128xf32, #tpu.memory_space<vmem>>, vector<1x10000x128xf32>
    %get3A_12 = vector.shape_cast %get3A_11 : vector<1x10000x128xf32> to vector<10000x128xf32>
    %slice3A_13 = vector.extract_strided_slice %get3A_1 {offsets = [0, 128], sizes = [256, 128], strides = [1, 1]} : vector<256x256xf32> to vector<256x128xf32>
    %dot_general3A_14 = arith.constant dense<0.000000e+00> : vector<10000x256xf32>
    %dot_general3A_15 = tpu.matmul %get3A_12, %slice3A_13, %dot_general3A_14 {dimension_numbers = #tpu.dot_dimension_numbers<[1], [1], [0], [0], [0, 0, 1, 0], [], []>, transpose_lhs_hint = false} : vector<10000x128xf32>, vector<256x128xf32>, vector<10000x256xf32> -> vector<10000x256xf32>
    %add3A = arith.addf %dot_general3A_7, %dot_general3A_15 : vector<10000x256xf32>
    %get3A_16 = arith.constant 0 : index
    %get3A_17 = arith.constant 0 : index
    %get3A_18 = vector.load %arg2[%get3A_16, %get3A_17] : memref<1x256xf32, #tpu.memory_space<vmem>>, vector<1x256xf32>
    %add3A_19 = vector.broadcast %get3A_18 : vector<1x256xf32> to vector<10000x256xf32>
    %add3A_20 = arith.addf %add3A, %add3A_19 : vector<10000x256xf32>
    %reduce_sum3A = arith.constant dense<0.000000e+00> : vector<256xf32>
    %reduce_sum3A_21 = vector.multi_reduction <add>, %add3A_20, %reduce_sum3A [0] : vector<10000x256xf32> to vector<256xf32>
    %broadcast_in_dim3A = vector.shape_cast %reduce_sum3A_21 : vector<256xf32> to vector<1x256xf32>
    %div3A = arith.constant 1.000000e+04 : f32
    %div3A_22 = vector.broadcast %div3A : f32 to vector<1x256xf32>
    %div3A_23 = arith.divf %broadcast_in_dim3A, %div3A_22 : vector<1x256xf32>
    %sub3A = vector.broadcast %div3A_23 : vector<1x256xf32> to vector<10000x256xf32>
    %sub3A_24 = arith.subf %add3A_20, %sub3A : vector<10000x256xf32>
    %mul3A = arith.mulf %sub3A_24, %sub3A_24 : vector<10000x256xf32>
    %reduce_sum3A_25 = arith.constant dense<0.000000e+00> : vector<256xf32>
    %reduce_sum3A_26 = vector.multi_reduction <add>, %mul3A, %reduce_sum3A_25 [0] : vector<10000x256xf32> to vector<256xf32>
    %broadcast_in_dim3A_27 = vector.shape_cast %reduce_sum3A_26 : vector<256xf32> to vector<1x256xf32>
    %div3A_28 = arith.constant 1.000000e+04 : f32
    %div3A_29 = vector.broadcast %div3A_28 : f32 to vector<1x256xf32>
    %div3A_30 = arith.divf %broadcast_in_dim3A_27, %div3A_29 : vector<1x256xf32>
    %add3A_31 = arith.constant 9.99999974E-6 : f32
    %add3A_32 = vector.broadcast %add3A_31 : f32 to vector<1x256xf32>
    %add3A_33 = arith.addf %div3A_30, %add3A_32 : vector<1x256xf32>
    %rsqrt3A = math.rsqrt %add3A_33 : vector<1x256xf32>
    %mul3A_34 = vector.broadcast %rsqrt3A : vector<1x256xf32> to vector<10000x256xf32>
    %mul3A_35 = arith.mulf %sub3A_24, %mul3A_34 : vector<10000x256xf32>
    %get3A_36 = arith.constant 0 : index
    %get3A_37 = arith.constant 0 : index
    %get3A_38 = vector.load %arg3[%get3A_36, %get3A_37] : memref<1x256xf32, #tpu.memory_space<vmem>>, vector<1x256xf32>
    %mul3A_39 = vector.broadcast %get3A_38 : vector<1x256xf32> to vector<10000x256xf32>
    %mul3A_40 = arith.mulf %mul3A_35, %mul3A_39 : vector<10000x256xf32>
    %get3A_41 = arith.constant 0 : index
    %get3A_42 = arith.constant 0 : index
    %get3A_43 = vector.load %arg4[%get3A_41, %get3A_42] : memref<1x256xf32, #tpu.memory_space<vmem>>, vector<1x256xf32>
    %add3A_44 = vector.broadcast %get3A_43 : vector<1x256xf32> to vector<10000x256xf32>
    %add3A_45 = arith.addf %mul3A_40, %add3A_44 : vector<10000x256xf32>
    %get3A_46 = arith.constant 0 : index
    %get3A_47 = arith.constant 0 : index
    %get3A_48 = vector.load %arg5[%get3A_46, %get3A_47] : memref<256x256xf32, #tpu.memory_space<vmem>>, vector<256x256xf32>
    %dot_general3A_49 = arith.constant dense<0.000000e+00> : vector<10000x256xf32>
    %dot_general3A_50 = tpu.matmul %add3A_45, %get3A_48, %dot_general3A_49 {dimension_numbers = #tpu.dot_dimension_numbers<[1], [1], [0], [0], [0, 0, 1, 0], [], []>, transpose_lhs_hint = false} : vector<10000x256xf32>, vector<256x256xf32>, vector<10000x256xf32> -> vector<10000x256xf32>
    %get3A_51 = arith.constant 0 : index
    %get3A_52 = arith.constant 0 : index
    %get3A_53 = vector.load %arg6[%get3A_51, %get3A_52] : memref<1x256xf32, #tpu.memory_space<vmem>>, vector<1x256xf32>
    %add3A_54 = vector.broadcast %get3A_53 : vector<1x256xf32> to vector<10000x256xf32>
    %add3A_55 = arith.addf %dot_general3A_50, %add3A_54 : vector<10000x256xf32>
    %reduce_sum3A_56 = arith.constant dense<0.000000e+00> : vector<256xf32>
    %reduce_sum3A_57 = vector.multi_reduction <add>, %add3A_55, %reduce_sum3A_56 [0] : vector<10000x256xf32> to vector<256xf32>
    %broadcast_in_dim3A_58 = vector.shape_cast %reduce_sum3A_57 : vector<256xf32> to vector<1x256xf32>
    %div3A_59 = arith.constant 1.000000e+04 : f32
    %div3A_60 = vector.broadcast %div3A_59 : f32 to vector<1x256xf32>
    %div3A_61 = arith.divf %broadcast_in_dim3A_58, %div3A_60 : vector<1x256xf32>
    %sub3A_62 = vector.broadcast %div3A_61 : vector<1x256xf32> to vector<10000x256xf32>
    %sub3A_63 = arith.subf %add3A_55, %sub3A_62 : vector<10000x256xf32>
    %mul3A_64 = arith.mulf %sub3A_63, %sub3A_63 : vector<10000x256xf32>
    %reduce_sum3A_65 = arith.constant dense<0.000000e+00> : vector<256xf32>
    %reduce_sum3A_66 = vector.multi_reduction <add>, %mul3A_64, %reduce_sum3A_65 [0] : vector<10000x256xf32> to vector<256xf32>
    %broadcast_in_dim3A_67 = vector.shape_cast %reduce_sum3A_66 : vector<256xf32> to vector<1x256xf32>
    %div3A_68 = arith.constant 1.000000e+04 : f32
    %div3A_69 = vector.broadcast %div3A_68 : f32 to vector<1x256xf32>
    %div3A_70 = arith.divf %broadcast_in_dim3A_67, %div3A_69 : vector<1x256xf32>
    %add3A_71 = arith.constant 9.99999974E-6 : f32
    %add3A_72 = vector.broadcast %add3A_71 : f32 to vector<1x256xf32>
    %add3A_73 = arith.addf %div3A_70, %add3A_72 : vector<1x256xf32>
    %rsqrt3A_74 = math.rsqrt %add3A_73 : vector<1x256xf32>
    %mul3A_75 = vector.broadcast %rsqrt3A_74 : vector<1x256xf32> to vector<10000x256xf32>
    %mul3A_76 = arith.mulf %sub3A_63, %mul3A_75 : vector<10000x256xf32>
    %get3A_77 = arith.constant 0 : index
    %get3A_78 = arith.constant 0 : index
    %get3A_79 = vector.load %arg7[%get3A_77, %get3A_78] : memref<1x256xf32, #tpu.memory_space<vmem>>, vector<1x256xf32>
    %mul3A_80 = vector.broadcast %get3A_79 : vector<1x256xf32> to vector<10000x256xf32>
    %mul3A_81 = arith.mulf %mul3A_76, %mul3A_80 : vector<10000x256xf32>
    %get3A_82 = arith.constant 0 : index
    %get3A_83 = arith.constant 0 : index
    %get3A_84 = vector.load %arg8[%get3A_82, %get3A_83] : memref<1x256xf32, #tpu.memory_space<vmem>>, vector<1x256xf32>
    %add3A_85 = vector.broadcast %get3A_84 : vector<1x256xf32> to vector<10000x256xf32>
    %add3A_86 = arith.addf %mul3A_81, %add3A_85 : vector<10000x256xf32>
    %swap3A = arith.constant 0 : index
    %swap3A_87 = arith.constant 0 : index
    %swap3A_88 = vector.load %arg9[%swap3A, %swap3A_87] : memref<10000x256xf32, #tpu.memory_space<vmem>>, vector<10000x256xf32>
    tpu.vector_store %arg9[%swap3A, %swap3A_87], %add3A_86 {strides = array<i32>} : memref<10000x256xf32, #tpu.memory_space<vmem>>, vector<10000x256xf32>,
    return
  }
}

</mosaic_0001>

<sc_bundles>
// kernel: kernel.4.cloned.1.call-start
scs
__scs_entry_jumppad:
0x0: {  	(pc) =	sbr.rel $0x88, $3  }
0x1: {  	(tag) =	ssettag $0x0;
	lr =	simm.s32 $0x1  }
0x2: {  	[smem:$0x3F97] =	sst lr;
	_ =	strace $0xD0000000  }
0x3: {  	_ = 	snop  }
0x4: {  	_ = 	snop  }
0x5: {  	_ = 	snop  }
0x6: {  	_ = 	snop  }
0x7: {  	_ = 	snop  }
__scs_overlays_trampoline_lowered:
0x8: {  	[smem:$0x3FA6] =	sst s0  }
0x9: {  	[smem:$0x3FA7] =	sst s1  }
0xa: {  	[smem:$0x3FA8] =	sst s2  }
0xb: {  	[smem:$0x3FA9] =	sst s3  }
0xc: {  	[smem:$0x3FAA] =	sst s4  }
0xd: {  	[smem:$0x3FAB] =	sst s5  }
0xe: {  	[smem:$0x3FAC] =	sst s6  }
0xf: {  	[smem:$0x3FAD] =	sst s7  }
0x10: {  	[smem:$0x3FAE] =	sst s8  }
0x11: {  	[smem:$0x3FAF] =	sst s9;
	s0 =	simm.s32 @!p0 $0x0  }
0x12: {  	s1 =	sld [smem:$0x3F95];
	s0 =	simm.s32 @p0 $0x1  }
0x13: {  	[smem:$0x3FB0] =	sst s0;
	s0 =	simm.s32 @!p1 $0x0  }
0x14: {  	s2 =	sld [smem:$0x3F94];
	s0 =	simm.s32 @p1 $0x1  }
0x15: {  	[smem:$0x3FB1] =	sst s0;
	s0 =	simm.s32 @!p2 $0x0  }
0x16: {  	s3 =	sld [smem:$0x3FDB];
	s0 =	simm.s32 @p2 $0x1  }
0x17: {  	s4 =	simm.s32 $0x1BF5;
	[smem:$0x3FB3] =	sst s0  }
0x18: {  	s0 =	sld [smem:$0x3F96];
	_ =	swait.ge [sflag:s4], $0x0  }
0x19: {  	s7 =	sld [smem:$0x3F97]  }
0x1a: {  	s8 =	sadd.s32 $0xFFFFE003, lr  }
0x1b: {  	s9 =	sadd.s32 $0xFFFFFEF7, lr;
	s5 =	simm.s32 $0xFFFFFFFF;
	p2 =	slt.u32 s8, $0xFFFFF086  }
0x1c: {  	p1 =	slt.u32 s9, $0xF7A;
	s5 =	simm.s32 @!p2 $0x0  }
0x1d: {  	s5 =	simm.s32 @p1 $0x1;
	p0 =	seq.s32 s7, s2  }
0x1e: {  	s7 =	smul.u32 @!p0 $0xF7A, s2;
	p2 =	seq.s32 @!p0 s5, $0x0  }
0x1f: {  	s9 =	smul.u32 $0xF7A, s1;
	s8 =	simm.s32 @!p0 $0x1BF5;
	p2 =	por !p2, p0  }
0x20: {  	[sflag:s8] =	ssyncset.s32 @!p0 $0xFFFFF086;
	s6 =	sadd.s32 @!p0 s3, s7;
	s7 =	simm.s32 @!p0 $0x108  }
0x21: {  	s3 =	sadd.s32 s3, s9;
	s6 =	sadd.s32 @!p0 $0x88, s6;
	s7 =	simm.s32 @p2 $0x1082  }
0x22: {  	[simem:s7], [sflag:s8] =	dma.local @!p0 [hbm:s6], $0xF7A  }
0x23: {  	s9 =	sor.u32 $0xD0000000, s2;
	s6 =	simm.s32 $0x108;
	_ =	swait.ge @!p0 [sflag:s8], $0x0  }
0x24: {  	s3 =	sadd.s32 $0x88, s3;
	s6 =	simm.s32 @!p1 $0x1082;
	[sflag:s4] =	ssyncset.s32 $0xFFFFF086  }
0x25: {  	[simem:s6], [sflag:s4] =	dma.local [hbm:s3], $0xF7A  }
0x26: {  	[smem:$0x3F97] =	sst s1;
	(tag) =	ssettag s2;
	_ =	strace s9  }
0x27: {  	s1 =	sld [smem:$0x3FA7]  }
0x28: {  	s2 =	sld [smem:$0x3FA8]  }
0x29: {  	s4 =	sld [smem:$0x3FAA]  }
0x2a: {  	p0 =	seq.s32 s5, $0x0;
	s5 =	sld [smem:$0x3FAB]  }
0x2b: {  	s6 =	sld [smem:$0x3FAC]  }
0x2c: {  	s7 =	sld [smem:$0x3FAD]  }
0x2d: {  	s3 =	simm.s32 $0x108;
	s8 =	sld [smem:$0x3FAE]  }
0x2e: {  	s3 =	simm.s32 @!p0 $0x1082;
	s9 =	sld [smem:$0x3FAF]  }
0x2f: {  	lr =	sadd.s32 s0, s3;
	s0 =	sld [smem:$0x3FA6]  }
0x30: {  	s3 =	sld [smem:$0x3FA9]  }
0x31: {  	[smem:$0x3FB2] =	sst s10  }
0x32: {  	s10 =	sld [smem:$0x3FB0];
	_ =	sdelay $0x3  }
0x33: {  	p0 =	seq.s32 s10, $0x1;
	s10 =	sld [smem:$0x3FB2];
	_ =	sdelay $0x3  }
0x34: {  	[smem:$0x3FB2] =	sst s10  }
0x35: {  	s10 =	sld [smem:$0x3FB1];
	_ =	sdelay $0x3  }
0x36: {  	p1 =	seq.s32 s10, $0x1;
	s10 =	sld [smem:$0x3FB2];
	_ =	sdelay $0x3  }
0x37: {  	[smem:$0x3FB2] =	sst s10  }
0x38: {  	s10 =	sld [smem:$0x3FB3]  }
0x39: {  	_ = 	snop;
	(pc) =	sbr.ind lr, $3  }
0x3a: {  	_ = 	snop  }
0x3b: {  	_ = 	snop  }
0x3c: {  	p2 =	seq.s32 s10, $0x1;
	s10 =	sld [smem:$0x3FB2]  }
0x3d: {  	_ =	shalt  }
0x3e: {  	_ =	shalt  }
0x3f: {  	_ =	shalt  }
0x40: {  	_ =	shalt  }
0x41: {  	_ =	shalt  }
0x42: {  	_ =	shalt  }
0x43: {  	_ =	shalt  }
0x44: {  	_ =	shalt  }
0x45: {  	_ =	shalt  }
0x46: {  	_ =	shalt  }
0x47: {  	_ =	shalt  }
0x48: {  	_ =	shalt  }
0x49: {  	_ =	shalt  }
0x4a: {  	_ =	shalt  }
0x4b: {  	_ =	shalt  }
0x4c: {  	_ =	shalt  }
0x4d: {  	_ =	shalt  }
0x4e: {  	_ =	shalt  }
0x4f: {  	_ =	shalt  }
0x50: {  	_ =	shalt  }
0x51: {  	_ =	shalt  }
0x52: {  	_ =	shalt  }
0x53: {  	_ =	shalt  }
0x54: {  	_ =	shalt  }
0x55: {  	_ =	shalt  }
0x56: {  	_ =	shalt  }
0x57: {  	_ =	shalt  }
0x58: {  	_ =	shalt  }
0x59: {  	_ =	shalt  }
0x5a: {  	_ =	shalt  }
0x5b: {  	_ =	shalt  }
0x5c: {  	_ =	shalt  }
0x5d: {  	_ =	shalt  }
0x5e: {  	_ =	shalt  }
0x5f: {  	_ =	shalt  }
0x60: {  	_ =	shalt  }
0x61: {  	_ =	shalt  }
0x62: {  	_ =	shalt  }
0x63: {  	_ =	shalt  }
0x64: {  	_ =	shalt  }
0x65: {  	_ =	shalt  }
0x66: {  	_ =	shalt  }
0x67: {  	_ =	shalt  }
0x68: {  	_ =	shalt  }
0x69: {  	_ =	shalt  }
0x6a: {  	_ =	shalt  }
0x6b: {  	_ =	shalt  }
0x6c: {  	_ =	shalt  }
0x6d: {  	_ =	shalt  }
0x6e: {  	_ =	shalt  }
0x6f: {  	_ =	shalt  }
0x70: {  	_ =	shalt  }
0x71: {  	_ =	shalt  }
0x72: {  	_ =	shalt  }
0x73: {  	_ =	shalt  }
0x74: {  	_ =	shalt  }
0x75: {  	_ =	shalt  }
0x76: {  	_ =	shalt  }
0x77: {  	_ =	shalt  }
0x78: {  	_ =	shalt  }
0x79: {  	_ =	shalt  }
0x7a: {  	_ =	shalt  }
0x7b: {  	_ =	shalt  }
0x7c: {  	_ =	shalt  }
0x7d: {  	_ =	shalt  }
0x7e: {  	_ =	shalt  }
0x7f: {  	_ =	shalt  }
0x80: {  	_ =	shalt  }
0x81: {  	_ =	shalt  }
0x82: {  	_ =	shalt  }
0x83: {  	_ =	shalt  }
0x84: {  	_ =	shalt  }
0x85: {  	_ =	shalt  }
0x86: {  	_ =	shalt  }
0x87: {  	_ =	shalt  }
.Lfunc_end0:
.L_simem_size_0:
called_computation_lowered:
.L_overlay_start_0:
0x88: {  	s2 =	sld [smem:$0x3FD9]  }
0x89: {  	s3 =	sld [smem:$0x3FFE];
	_ =	sdelay $0x1  }
0x8a: {  	s1 =	srdreg.scid  }
0x8b: {  	s0 =	sand.u32 $0x1, s1  }
0x8c: {  	s17 =	sshll.u32 s0, $0xA;
	s2 =	sadd.s32 s3, s2  }
0x8d: {  	s2 =	sadd.s32 s2, s17  }
0x8e: {  	[smem:$0x3FBE] =	sst s2  }
0x8f: {  	_ = 	snop  }
0x90: {  	s2 =	sld [smem:$0x3FD0];
	(tm) =	ssettm $0x1  }
0x91: {  	s18 =	sld [smem:$0x3FFB];
	_ =	sdelay $0x3  }
0x92: {  	_ =	strace s18  }
0x93: {  	s3 =	sld [smem:$0x3FFC];
	_ =	sdelay $0x3  }
0x94: {  	_ =	strace s3  }
0x95: {  	s3 =	sld [smem:$0x3FFD];
	_ =	sdelay $0x3  }
0x96: {  	_ =	strace s3  }
0x97: {  	_ =	strace $0x8FFFFFFF  }
0x98: {  	s19 =	sld [smem:$0x3FDB];
	_ =	sdelay $0x1  }
0x99: {  	s4 =	simm.s32 $_scs_section_size  }
0x9a: {  	s5 =	simm.s32 $_size__tile_overlayer_lowered;
	s6 =	simm.s32 $_tile_overlayer_lowered  }
0x9b: {  	s22 =	simm.s32 $0x1BFF;
	s21 =	sshll.u32 s6, $0x1;
	s3 =	sadd.s32 s4, s19  }
0x9c: {  	s7 =	simm.s32 $0x0;
	s20 =	sshll.u32 s5, $0x1;
	s5 =	sadd.s32 s21, s3  }
0x9d: {  	[timem:s7], [sflag:s22] =	dma.local [hbm:s5], s20  }
0x9e: {  	_ =	swait.ge [sflag:s22], s20  }
0x9f: {  	s4 =	ssub.s32 $0x0, s20;
	[sflag:s22] =	ssyncset.done $0x0  }
0xa0: {  	[sflag:s22] =	ssyncadd.s32 s4;
	_ =	sdelay $0x1  }
0xa1: {  	s23 =	simm.s32 $0x1B8B  }
0xa2: {  	_ =	swait.ge [sflag:s23], $0x1  }
0xa3: {  	[sflag:s23] =	ssyncset.done $0x0  }
0xa4: {  	s25 =	simm.s32 $0x1B8E;
	s24 =	sld [smem:$0x3FFE];
	[sflag:s23] =	ssyncadd.s32 $0xFFFFFFFF  }
0xa5: {  	s26 =	simm.s32 $execute0_lowered;
	[smem:$0x3FD2] =	sst s25  }
0xa6: {  	s5 =	sshll.u32 s26, $0x1;
	_ =	strace $0x80000046;
	[dreg:$0x1] =	wrdreg $0xFFFFFFFF  }
0xa7: {  	s28 =	simm.s32 $_size_execute0_lowered;
	s3 =	sadd.s32 s3, s5;
	[dreg:$0x0] =	wrdreg $0x0  }
0xa8: {  	s5 =	sshll.u32 s28, $0x1;
	[dreg:$0x2] =	wrdreg s3  }
0xa9: {  	[dreg:$0x3] =	wrdreg s5  }
0xaa: {  	[dreg:$0x4] =	wrdreg $0xC0  }
0xab: {  	_ =	task [dreg:s7], $0x5FFFF  }
0xac: {  	[dreg:$0x1] =	wrdreg $0xFFFFFFFF  }
0xad: {  	[dreg:$0x0] =	wrdreg $0x60  }
0xae: {  	[dreg:$0x2] =	wrdreg s2  }
0xaf: {  	[dreg:$0x3] =	wrdreg s24  }
0xb0: {  	[dreg:$0x4] =	wrdreg $0x90000  }
0xb1: {  	[dreg:$0x5] =	wrdreg $0x9  }
0xb2: {  	_ =	task.clear_ibuf [dreg:s7], $0x6FFFF;
	_ =	strace $0x90000046  }
0xb3: {  	s29 =	simm.s32 $0x9;
	_ =	strace $0x80000048  }
0xb4: {  	_ =	swait.ge [sflag:s29], $0x1  }
0xb5: {  	[sflag:s29] =	ssyncadd.s32 $0xFFFFFFFF  }
0xb6: {  	_ =	strace $0x90000048  }
0xb7: {  	_ =	sfence  }
0xb8: {  	s30 =	sld [smem:$0x0];
	_ =	sdelay $0x2  }
0xb9: {  	s31 =	sshll.u32 s1, $0xD;
	s1 =	sshrl.u32 s1, $0x2  }
0xba: {  	s3 =	sand.u32 $0x4000, s31;
	s1 =	sadd.s32 s1, s30  }
0xbb: {  	s0 =	sor.u32 s3, s0;
	s1 =	sshll.u32 s1, $0x11  }
0xbc: {  	s0 =	sor.u32 s1, s0  }
0xbd: {  	s0 =	sadd.s32 $0x8F2B, s0  }
0xbe: {  	[sflag:s0] =	ssyncadd.remote.s32 $0x1  }
0xbf: {  	_ =	sfence.sel $0xFFFF  }
0xc0: {  	[dreg:$0x0] =	wrdreg $0xFFFFFFFF;
	(pc) =	sbr.abs _section_cstart, $3  }
0xc1: {  	[dreg:$0x1] =	wrdreg $0xFFFFFFFF  }
0xc2: {  	_ =	task.clear_ibuf [dreg:s7], $0x2FFFF;
	_ =	strace $0x9FFFFFFF  }
0xc3: {  	(tm) =	ssettm $0x7FFFFFFF  }
tec
execute0_lowered:
.L_overlay_start_1:
0x0: {  	(tag) =	ssettag $0x1  }
0x1: {  	s1 =	rddreg [dreg:$0x0]  }
0x2: {  	s0 =	srdreg.scid;
	s5 =	rddreg [dreg:$0x1]  }
0x3: {  	s3 =	rddreg [dreg:$0x2];
	s6 =	sand.u32 $0x1, s0  }
0x4: {  	s0 =	stileid.u32;
	s7 =	smul.u32 $0x140000, s6  }
0x5: {  	s2 =	rddreg [dreg:$0x3];
	s8 =	smul.u32 $0x14000, s0  }
0x6: {  	s4 =	simm.s32 $0x0;
	s16 =	simm.s32 $0x5000;
	s9 =	smul.u32 $0x2800, s0  }
0x7: {  	s17 =	simm.s32 $0x1;
	[smem:$0x7FF] =	sst s4;
	s25 =	smul.u32 $0x28000, s6  }
0x8: {  	s12 =	sadd.s32 $0x60800, s5;
	s18 =	sadd.s32 $0x128400, s3;
	s10 =	smul.u32 $0x50000, s0  }
0x9: {  	s20 =	simm.s32 $0x0;
	_ =	strace $0x80000047;
	s28 =	smul.u32 $0x138800, s6  }
0xa: {  	s11 =	ssub.s32 $0x2, s6;
	s29 =	sshll.u32 s0, $0x6;
	s14 =	smul.u32 $0x13C00, s0  }
0xb: {  	s15 =	smul.u32 $0x4F000, s0;
	p0 =	seq.s32 s0, $0xF;
	s26 =	sshrl.u32 s11, $0x1  }
0xc: {  	s6 =	sor.u32 $0x1C02, s29;
	s18 =	sshrl.u32 @p0 s18, $0x3;
	s7 =	sadd.s32 s8, s7  }
0xd: {  	s8 =	sadd.s32 s9, s25;
	s9 =	sshrl.u32 s9, $0x3;
	s10 =	sshrl.u32 s10, $0x2  }
0xe: {  	s11 =	ssub.s32 s11, s26;
	s30 =	sadd.s32 s14, s28;
	s31 =	sshrl.u32 s15, $0x2  }
0xf: {  	s14 =	simm.s32 $0x2800;
	s15 =	simm.s32 $0x80;
	s7 =	sshrl.u32 s7, $0x3  }
0x10: {  	s8 =	sshrl.u32 s8, $0x3;
	s9 =	sadd.s32 s9, s5;
	s13 =	sadd.s32 s10, s3  }
0x11: {  	s10 =	sshrl.u32 s28, $0x3;
	s19 =	sadd.s32 s31, s3;
	s11 =	smax.u32 s11, $0x1  }
0x12: {  	s7 =	sadd.s32 s7, s5;
	s8 =	sadd.s32 s8, s5;
	s10 =	sadd.s32 s12, s10  }
0x13: {  	s19 =	sshrl.u32 @!p0 s19, $0x3;
	s5 =	sadd.s32 $0x10800, s7;
	s7 =	sadd.s32 $0x1800, s8  }
0x14: {  	s8 =	sadd.s32 $0xB800, s9;
	s9 =	sshrl.u32 s30, $0x3;
	s10 =	sadd.s32 $0x25080, s10  }
0x15: {  	s9 =	sadd.s32 s12, s9;
	s12 =	sshrl.u32 s13, $0x3;
	s13 =	simm.s32 $0x2  }
.LBB2_1:
0x16: {  	[spmem:s12], [sflag:s6] =	dma.local [hbm:s5], $0x2800  }
0x17: {  	_ =	swait.ge [sflag:s13], $0x2800  }
0x18: {  	[sflag:s13] =	ssyncset.done $0x0  }
0x19: {  	[sflag:s13] =	ssyncadd.s32 $0xFFFFD800  }
0x1a: {  	[tilespmem:s4], [sflag:$0x2] =	stream.linear.gather [hbm4b:s7+s4], $0x2800, $0x38;
	[tilespmem:$0x1D000] =	vst v63  }
0x1b: {  	_ =	swait.ge [sflag:s13], $0x2800  }
0x1c: {  	[sflag:s13] =	ssyncset.done $0x0  }
0x1d: {  	[sflag:s13] =	ssyncadd.s32 $0xFFFFD800  }
0x1e: {  	[tilespmem:s14], [sflag:$0x2] =	stream.linear.gather [hbm4b:s8+s4], $0x2800, $0x38;
	[tilespmem:$0x1D000] =	vst v63  }
0x1f: {  	_ =	swait.ge [sflag:s13], $0x2800  }
0x20: {  	[sflag:s13] =	ssyncset.done $0x0  }
0x21: {  	[sflag:s13] =	ssyncadd.s32 $0xFFFFD800  }
0x22: {  	s21 =	simm.s32 $0x0;
	[bflag:$0x0] =	sbarrier.arrive $0xFFFF  }
0x23: {  	[tilespmem:s16], [sflag:$0x1] =	stream.indirect.gather [hbm4b:s1+s15], $0x80, s21, s15, $0xb8;
	[tilespmem:$0x1D000] =	vst v63  }
0x24: {  	_ =	swait.ge [sflag:s17], $0x4000  }
0x25: {  	[sflag:s17] =	ssyncset.done $0x0  }
0x26: {  	s31 =	simm.s32 $0x2800;
	[sflag:s17] =	ssyncadd.s32 $0xFFFFC000  }
0x27: {  	[spmem:s3] =	stream.indirect.scatter.add.f32 [tilespmem:s16], [sflag:$0x2], $0x80, s31, s15, $0xb8;
	[tilespmem:$0x1D000] =	vst v63  }
0x28: {  	_ =	swait.ge [sflag:s13], $0x4000  }
0x29: {  	s22 =	simm.s32 $0x400;
	s21 =	simm.s32 $0x200;
	[sflag:s13] =	ssyncset.done $0x0  }
.LBB2_2:
0x2a: {  	s23 =	sshra.s32 s21, $0x2  }
0x2b: {  	[sflag:s13] =	ssyncadd.s32 $0xFFFFC000;
	s21 =	smov.u32 s22;
	s24 =	sadd.s32 $0x200, s22  }
0x2c: {  	[tilespmem:s16], [sflag:$0x1] =	stream.indirect.gather [hbm4b:s1+s15], $0x80, s23, s15, $0xb8;
	[tilespmem:$0x1D000] =	vst v63  }
0x2d: {  	p1 =	sne.s32 s22, $0x9E00;
	_ =	swait.ge [sflag:s17], $0x4000  }
.Ltmp0:
0x2e: {  	[sflag:s17] =	ssyncset.done $0x0;
	(pc) =	sbr.rel @p1 .LBB2_2-.Ltmp0, $4  }
0x2f: {  	s22 =	sadd.s32 $0x2800, s23;
	[sflag:s17] =	ssyncadd.s32 $0xFFFFC000  }
0x30: {  	[spmem:s3] =	stream.indirect.scatter.add.f32 [tilespmem:s16], [sflag:$0x2], $0x80, s22, s15, $0xb8;
	[tilespmem:$0x1D000] =	vst v63  }
0x31: {  	_ =	swait.ge [sflag:s13], $0x4000  }
0x32: {  	s22 =	smov.u32 s24;
	[sflag:s13] =	ssyncset.done $0x0  }
0x33: {  	s21 =	sshra.s32 s21, $0x2;
	[sflag:s13] =	ssyncadd.s32 $0xFFFFC000  }
0x34: {  	[tilespmem:s16], [sflag:$0x1] =	stream.indirect.gather [hbm4b:s1+s15], $0x80, s21, s15, $0xb8;
	[tilespmem:$0x1D000] =	vst v63  }
0x35: {  	_ =	swait.ge [sflag:s17], $0x4000  }
0x36: {  	[sflag:s17] =	ssyncset.done $0x0  }
0x37: {  	s21 =	sadd.s32 $0x2800, s21;
	[sflag:s17] =	ssyncadd.s32 $0xFFFFC000  }
0x38: {  	[spmem:s3] =	stream.indirect.scatter.add.f32 [tilespmem:s16], [sflag:$0x2], $0x80, s21, s15, $0xb8;
	[tilespmem:$0x1D000] =	vst v63  }
0x39: {  	_ =	swait.ge [sflag:s13], $0x4000  }
0x3a: {  	[sflag:s13] =	ssyncset.done $0x0  }
0x3b: {  	[sflag:s13] =	ssyncadd.s32 $0xFFFFC000  }
0x3c: {  	s21 =	simm.s32 @p0 $0x2;
	[bflag:$0x0] =	sbarrier.arrive $0xFFFF  }
0x3d: {  	[hbm:s10], [sflag:s6] =	dma.local @p0 [spmem:s18], $0x2080  }
0x3e: {  	s20 =	sadd.s32 $0x1, s20;
	_ =	swait.ge @p0 [sflag:s21], $0x2080  }
0x3f: {  	p1 =	sne.s32 s20, s11;
	[sflag:s21] =	ssyncset.done @p0 $0x0  }
.Ltmp1:
0x40: {  	[sflag:s21] =	ssyncadd.s32 @p0 $0xFFFFDF80;
	s21 =	simm.s32 @!p0 $0x2;
	(pc) =	sbr.rel @p1 .LBB2_1-.Ltmp1, $4  }
0x41: {  	[hbm:s9], [sflag:s6] =	dma.local @!p0 [spmem:s19], $0x2780  }
0x42: {  	_ =	swait.ge @!p0 [sflag:s21], $0x2780  }
0x43: {  	[sflag:s21] =	ssyncset.done @!p0 $0x0  }
0x44: {  	[sflag:s21] =	ssyncadd.s32 @!p0 $0xFFFFD880  }
0x45: {  	_ =	sfence.sel $0x180000  }
0x46: {  	[bflag:$0x0] =	sbarrier.arrive $0xFFFF  }
0x47: {  	p0 =	sne.s32 s0, $0x0;
	_ =	strace $0x90000047  }
0x48: {  	s0 =	sadd.s32 @!p0 $0x100000, s2;
	[bflag:$0x2] =	sbarrier.arrive $0xFFFF  }
0x49: {  	[sflag:s0] =	ssyncadd.tile.s32 @!p0 $0x1;
	_ =	shalt  }
.Lfunc_end2:
_tile_overlayer_lowered:
.L_overlay_start_2:
0x4a: {  	(tag) =	ssettag $0x2  }
0x4b: {  	s0 =	rddreg [dreg:$0x0];
	s2 =	stileid.u32  }
0x4c: {  	s1 =	rddreg [dreg:$0x1];
	p0 =	sne.s32 s2, $0x0  }
0x4d: {  	s3 =	rddreg [dreg:$0x2];
	[bflag:$0x3] =	sbarrier.arrive $0xFFFF;
	s2 =	simm.s32 @!p0 $0x1C02  }
0x4e: {  	[timem:s3], [sflag:s2] =	dma.local @!p0 [hbm:s0], s1  }
0x4f: {  	s0 =	simm.s32 @!p0 $0x2  }
0x50: {  	_ =	swait.ge @!p0 [sflag:s0], s1  }
0x51: {  	s1 =	ssub.s32 @!p0 $0x0, s1;
	[sflag:s0] =	ssyncset.done @!p0 $0x0  }
0x52: {  	[sflag:s0] =	ssyncadd.s32 @!p0 s1  }
0x53: {  	[bflag:$0x3] =	sbarrier.arrive $0xFFFF  }
0x54: {  	_ =	shalt  }

</sc_bundles>
